<compile_context>
chip_gen: v7x
topology: tpu7x:2x2x1
jax: 0.10.2.dev20260603
libtpu: 0.0.44.dev20260713+nightly
codegen_flags: <defaults>
</compile_context>

<pallas_src>
import jax
import jax.numpy as jnp
from jax import lax
from jax.experimental import pallas as pl
from jax.experimental.pallas import tpu as pltpu
from jax.experimental.pallas import tpu_sc as plsc


def _sc_mean(context, emb_table, num_cores=2, num_subcores=16):
    B, CTX = context.shape
    V, D = emb_table.shape
    NW = num_cores * num_subcores
    BPW = B // NW
    IPW = BPW * CTX
    CHUNK = 80
    NCH = IPW // CHUNK
    LANES = 16
    DCH = D // LANES

    ctx3 = context.astype(jnp.int32).reshape(NW, NCH, CHUNK)

    def body(ctx_hbm, emb_hbm, out_hbm, idx_v, rows_v, mean_v, sem):
        wid = lax.axis_index("s") * num_cores + lax.axis_index("c")
        pltpu.sync_copy(ctx_hbm.at[wid], idx_v)
        copies = [
            pltpu.async_copy(
                emb_hbm.at[idx_v.at[k]], rows_v.at[pl.ds(k * CHUNK, CHUNK)], sem
            )
            for k in range(NCH)
        ]
        for c in copies:
            c.wait()

        scale = jnp.float32(1.0 / CTX)

        def mean_one(i, _):
            base = i * CTX
            for c in range(DCH):
                acc = rows_v[base, pl.ds(c * LANES, LANES)]
                for j in range(1, CTX):
                    acc = acc + rows_v[base + j, pl.ds(c * LANES, LANES)]
                mean_v[i, pl.ds(c * LANES, LANES)] = acc * scale
            return 0

        lax.fori_loop(0, BPW, mean_one, 0)
        pltpu.sync_copy(mean_v, out_hbm.at[pl.ds(wid * BPW, BPW)])

    mesh = plsc.VectorSubcoreMesh(
        core_axis_name="c", subcore_axis_name="s",
        num_cores=num_cores, num_subcores=num_subcores,
    )
    return pl.kernel(
        body,
        out_type=jax.ShapeDtypeStruct((B, D), jnp.float32),
        mesh=mesh,
        compiler_params=pltpu.CompilerParams(use_tc_tiling_on_sc=False),
        scratch_types=[
            pltpu.VMEM((NCH, CHUNK), jnp.int32),
            pltpu.VMEM((IPW, D), jnp.float32),
            pltpu.VMEM((BPW, D), jnp.float32),
            pltpu.SemaphoreType.DMA,
        ],
    )(ctx3, emb_table)


def _mmt_body(mean_ref, wt_ref, out_ref):
    out_ref[...] = lax.dot_general(
        wt_ref[...].astype(jnp.bfloat16), mean_ref[...].astype(jnp.bfloat16),
        dimension_numbers=(((0,), (1,)), ((), ())),
        preferred_element_type=jnp.float32,
    )


def _tc_logits_t(mean, W_T, vb=6144):
    B, D = mean.shape
    _, V = W_T.shape
    return pl.pallas_call(
        _mmt_body,
        grid=(pl.cdiv(V, vb),),
        in_specs=[
            pl.BlockSpec((B, D), lambda i: (0, 0)),
            pl.BlockSpec((D, vb), lambda i: (0, i)),
        ],
        out_specs=pl.BlockSpec((vb, B), lambda i: (i, 0)),
        out_shape=jax.ShapeDtypeStruct((V, B), jnp.float32),
        compiler_params=pltpu.CompilerParams(
            vmem_limit_bytes=60 * 1024 * 1024,
        ),
    )(mean, W_T)


def kernel(context, emb_table, W):
    mean = _sc_mean(context, emb_table)
    return _tc_logits_t(mean, W.T).T

# --- scband reference (transcript-rebuilt; emitter-appended) ---
"""Pipeline reference for scband-word2-vec-57200374448301 (READ-ONLY COPY).

The authoritative reference and input builder live on the scoring server;
editing this copy changes nothing except your own understanding.
"""

import jax, jax.numpy as jnp
import numpy as np

VOCAB = 100000
D_MODEL = 64
BATCH = 1024
WINDOW = 5
CTX_LEN = 2 * WINDOW


def setup_inputs(seed: int = 0) -> dict:
    key = jax.random.key(seed)
    k1, k2, k3 = jax.random.split(key, 3)
    context = jax.random.randint(k1, (BATCH, CTX_LEN), 0, VOCAB)
    # nn.Embedding(vocab_size, d_model) weight: [VOCAB, D_MODEL]
    emb_table = jax.random.normal(k2, (VOCAB, D_MODEL), dtype=jnp.float32) * 0.02
    # nn.Linear(d_model, vocab_size, bias=False) weight: [VOCAB, D_MODEL]
    W = jax.random.normal(k3, (VOCAB, D_MODEL), dtype=jnp.float32) * 0.02
    return {"context": context, "emb_table": emb_table, "W": W}


def reference(context, emb_table, W):
    # CBOW forward: embedding lookup -> mean over context window -> vocab projection
    context_vectors = jnp.take(emb_table, context, axis=0)   # [B, CTX_LEN, D]
    context_mean = context_vectors.mean(axis=1)              # [B, D]
    logits = context_mean @ W.T                              # [B, VOCAB]
    return logits

if __name__ == "__main__":
    import jax
    _d = setup_inputs()
    print(jax.jit(kernel)(*tuple(_d.values())))

</pallas_src>

<mosaic_0001>
#map = affine_map<(d0, d1) -> (0, 0, 0)>
#map1 = affine_map<(d0, d1) -> (0, 0)>
module attributes {stable_mosaic.version = 14 : i64} {
  func.func @body(%arg0: i32, %arg1: i32, %arg2: memref<32x4x80xi32, #tpu.memory_space<hbm>>, %arg3: memref<100000x64xf32, #tpu.memory_space<hbm>>, %arg4: memref<1024x64xf32, #tpu.memory_space<hbm>>, %arg5: memref<4x80xi32, #tpu.memory_space<vmem>>, %arg6: memref<320x64xf32, #tpu.memory_space<vmem>>, %arg7: memref<32x64xf32, #tpu.memory_space<vmem>>, %arg8: memref<!tpu.dma_semaphore, #tpu.memory_space<semaphore_mem>>) attributes {dimension_semantics = [#tpu.dimension_semantics<core_parallel>, #tpu.dimension_semantics<subcore_parallel>], iteration_bounds = array<i64: 2, 16>, scalar_prefetch = 0 : i64, scratch_operands = 4 : i64, tpu.core_type = #tpu.core_type<sc_vector_subcore>, window_params = [{transform_indices = #map}, {transform_indices = #map1}, {transform_indices = #map1}]} {
    %mul3A = arith.constant 2 : i32
    %mul3A_0 = arith.muli %arg1, %mul3A : i32
    %add3A = arith.addi %mul3A_0, %arg0 : i32
    "tpu.region"() ({
      %run_scoped3A = tpu.sem_alloc : memref<!tpu.dma_semaphore, #tpu.memory_space<semaphore_mem>>
      %dma_start3A_88 = arith.constant 0 : i32
      %dma_start3A_89 = arith.constant 0 : i32
      %dma_start3A_90 = tpu.memref_slice %arg2[%add3A, %dma_start3A_88, %dma_start3A_89] : memref<32x4x80xi32, #tpu.memory_space<hbm>> -> memref<1x4x80xi32, #tpu.memory_space<hbm>>
      %dma_start3A_91 = tpu.memref_squeeze %dma_start3A_90 : memref<1x4x80xi32, #tpu.memory_space<hbm>> -> memref<4x80xi32, #tpu.memory_space<hbm>>
      %dma_start3A_92 = arith.constant 0 : i32
      %dma_start3A_93 = arith.constant 0 : i32
      %dma_start3A_94 = tpu.memref_slice %arg2[%add3A, %dma_start3A_92, %dma_start3A_93] : memref<32x4x80xi32, #tpu.memory_space<hbm>> -> memref<1x4x80xi32, #tpu.memory_space<hbm>>
      %dma_start3A_95 = tpu.memref_squeeze %dma_start3A_94 : memref<1x4x80xi32, #tpu.memory_space<hbm>> -> memref<4x80xi32, #tpu.memory_space<hbm>>
      tpu.enqueue_dma source(%dma_start3A_95 : memref<4x80xi32, #tpu.memory_space<hbm>>) target(%arg5 : memref<4x80xi32, #tpu.memory_space<vmem>>) target_semaphore(%run_scoped3A : memref<!tpu.dma_semaphore, #tpu.memory_space<semaphore_mem>>)
      %dma_wait3A_96 = arith.constant 0 : i32
      %dma_wait3A_97 = arith.constant 0 : i32
      %dma_wait3A_98 = tpu.memref_slice %arg2[%add3A, %dma_wait3A_96, %dma_wait3A_97] : memref<32x4x80xi32, #tpu.memory_space<hbm>> -> memref<1x4x80xi32, #tpu.memory_space<hbm>>
      %dma_wait3A_99 = tpu.memref_squeeze %dma_wait3A_98 : memref<1x4x80xi32, #tpu.memory_space<hbm>> -> memref<4x80xi32, #tpu.memory_space<hbm>>
      %dma_wait3A_100 = arith.constant 0 : i32
      %dma_wait3A_101 = arith.constant 0 : i32
      %dma_wait3A_102 = tpu.memref_slice %arg2[%add3A, %dma_wait3A_100, %dma_wait3A_101] : memref<32x4x80xi32, #tpu.memory_space<hbm>> -> memref<1x4x80xi32, #tpu.memory_space<hbm>>
      %dma_wait3A_103 = tpu.memref_squeeze %dma_wait3A_102 : memref<1x4x80xi32, #tpu.memory_space<hbm>> -> memref<4x80xi32, #tpu.memory_space<hbm>>
      tpu.wait_dma2 semaphore(%run_scoped3A : memref<!tpu.dma_semaphore, #tpu.memory_space<semaphore_mem>>) src(%dma_wait3A_103 : memref<4x80xi32, #tpu.memory_space<hbm>>) dst(%arg5 : memref<4x80xi32, #tpu.memory_space<vmem>>)
      tpu.yield
    }) : () -> ()
    %dma_start3A = arith.constant 0 : i32
    %dma_start3A_1 = arith.constant 0 : i32
    %dma_start3A_2 = arith.constant 0 : i32
    %dma_start3A_3 = tpu.memref_slice %arg6[%dma_start3A_1, %dma_start3A_2] : memref<320x64xf32, #tpu.memory_space<vmem>> -> memref<80x64xf32, #tpu.memory_space<vmem>>
    %dma_start3A_4 = arith.constant 0 : i32
    %dma_start3A_5 = tpu.memref_slice %arg5[%dma_start3A, %dma_start3A_4] : memref<4x80xi32, #tpu.memory_space<vmem>> -> memref<1x80xi32, #tpu.memory_space<vmem>>
    %dma_start3A_6 = tpu.memref_squeeze %dma_start3A_5 : memref<1x80xi32, #tpu.memory_space<vmem>> -> memref<80xi32, #tpu.memory_space<vmem>>
    %dma_start3A_7 = arith.constant 0 : i32
    %dma_start3A_8 = arith.constant 0 : i32
    %dma_start3A_9 = tpu.memref_slice %arg3[%dma_start3A_7, %dma_start3A_8] : memref<100000x64xf32, #tpu.memory_space<hbm>> -> memref<100000x64xf32, #tpu.memory_space<hbm>>
    tpu.enqueue_indirect_dma source(%dma_start3A_9 : memref<100000x64xf32, #tpu.memory_space<hbm>>) target(%dma_start3A_3 : memref<80x64xf32, #tpu.memory_space<vmem>>) offsets(%dma_start3A_6 : memref<80xi32, #tpu.memory_space<vmem>>) semaphore(%arg8 : memref<!tpu.dma_semaphore, #tpu.memory_space<semaphore_mem>>)
    %dma_start3A_10 = arith.constant 1 : i32
    %dma_start3A_11 = arith.constant 80 : i32
    %dma_start3A_12 = arith.constant 0 : i32
    %dma_start3A_13 = tpu.memref_slice %arg6[%dma_start3A_11, %dma_start3A_12] : memref<320x64xf32, #tpu.memory_space<vmem>> -> memref<80x64xf32, #tpu.memory_space<vmem>>
    %dma_start3A_14 = arith.constant 0 : i32
    %dma_start3A_15 = tpu.memref_slice %arg5[%dma_start3A_10, %dma_start3A_14] : memref<4x80xi32, #tpu.memory_space<vmem>> -> memref<1x80xi32, #tpu.memory_space<vmem>>
    %dma_start3A_16 = tpu.memref_squeeze %dma_start3A_15 : memref<1x80xi32, #tpu.memory_space<vmem>> -> memref<80xi32, #tpu.memory_space<vmem>>
    %dma_start3A_17 = arith.constant 0 : i32
    %dma_start3A_18 = arith.constant 0 : i32
    %dma_start3A_19 = tpu.memref_slice %arg3[%dma_start3A_17, %dma_start3A_18] : memref<100000x64xf32, #tpu.memory_space<hbm>> -> memref<100000x64xf32, #tpu.memory_space<hbm>>
    tpu.enqueue_indirect_dma source(%dma_start3A_19 : memref<100000x64xf32, #tpu.memory_space<hbm>>) target(%dma_start3A_13 : memref<80x64xf32, #tpu.memory_space<vmem>>) offsets(%dma_start3A_16 : memref<80xi32, #tpu.memory_space<vmem>>) semaphore(%arg8 : memref<!tpu.dma_semaphore, #tpu.memory_space<semaphore_mem>>)
    %dma_start3A_20 = arith.constant 2 : i32
    %dma_start3A_21 = arith.constant 160 : i32
    %dma_start3A_22 = arith.constant 0 : i32
    %dma_start3A_23 = tpu.memref_slice %arg6[%dma_start3A_21, %dma_start3A_22] : memref<320x64xf32, #tpu.memory_space<vmem>> -> memref<80x64xf32, #tpu.memory_space<vmem>>
    %dma_start3A_24 = arith.constant 0 : i32
    %dma_start3A_25 = tpu.memref_slice %arg5[%dma_start3A_20, %dma_start3A_24] : memref<4x80xi32, #tpu.memory_space<vmem>> -> memref<1x80xi32, #tpu.memory_space<vmem>>
    %dma_start3A_26 = tpu.memref_squeeze %dma_start3A_25 : memref<1x80xi32, #tpu.memory_space<vmem>> -> memref<80xi32, #tpu.memory_space<vmem>>
    %dma_start3A_27 = arith.constant 0 : i32
    %dma_start3A_28 = arith.constant 0 : i32
    %dma_start3A_29 = tpu.memref_slice %arg3[%dma_start3A_27, %dma_start3A_28] : memref<100000x64xf32, #tpu.memory_space<hbm>> -> memref<100000x64xf32, #tpu.memory_space<hbm>>
    tpu.enqueue_indirect_dma source(%dma_start3A_29 : memref<100000x64xf32, #tpu.memory_space<hbm>>) target(%dma_start3A_23 : memref<80x64xf32, #tpu.memory_space<vmem>>) offsets(%dma_start3A_26 : memref<80xi32, #tpu.memory_space<vmem>>) semaphore(%arg8 : memref<!tpu.dma_semaphore, #tpu.memory_space<semaphore_mem>>)
    %dma_start3A_30 = arith.constant 3 : i32
    %dma_start3A_31 = arith.constant 240 : i32
    %dma_start3A_32 = arith.constant 0 : i32
    %dma_start3A_33 = tpu.memref_slice %arg6[%dma_start3A_31, %dma_start3A_32] : memref<320x64xf32, #tpu.memory_space<vmem>> -> memref<80x64xf32, #tpu.memory_space<vmem>>
    %dma_start3A_34 = arith.constant 0 : i32
    %dma_start3A_35 = tpu.memref_slice %arg5[%dma_start3A_30, %dma_start3A_34] : memref<4x80xi32, #tpu.memory_space<vmem>> -> memref<1x80xi32, #tpu.memory_space<vmem>>
    %dma_start3A_36 = tpu.memref_squeeze %dma_start3A_35 : memref<1x80xi32, #tpu.memory_space<vmem>> -> memref<80xi32, #tpu.memory_space<vmem>>
    %dma_start3A_37 = arith.constant 0 : i32
    %dma_start3A_38 = arith.constant 0 : i32
    %dma_start3A_39 = tpu.memref_slice %arg3[%dma_start3A_37, %dma_start3A_38] : memref<100000x64xf32, #tpu.memory_space<hbm>> -> memref<100000x64xf32, #tpu.memory_space<hbm>>
    tpu.enqueue_indirect_dma source(%dma_start3A_39 : memref<100000x64xf32, #tpu.memory_space<hbm>>) target(%dma_start3A_33 : memref<80x64xf32, #tpu.memory_space<vmem>>) offsets(%dma_start3A_36 : memref<80xi32, #tpu.memory_space<vmem>>) semaphore(%arg8 : memref<!tpu.dma_semaphore, #tpu.memory_space<semaphore_mem>>)
    %dma_wait3A = arith.constant 0 : i32
    %dma_wait3A_40 = arith.constant 0 : i32
    %dma_wait3A_41 = arith.constant 0 : i32
    %dma_wait3A_42 = tpu.memref_slice %arg6[%dma_wait3A_40, %dma_wait3A_41] : memref<320x64xf32, #tpu.memory_space<vmem>> -> memref<80x64xf32, #tpu.memory_space<vmem>>
    %dma_wait3A_43 = arith.constant 0 : i32
    %dma_wait3A_44 = tpu.memref_slice %arg5[%dma_wait3A, %dma_wait3A_43] : memref<4x80xi32, #tpu.memory_space<vmem>> -> memref<1x80xi32, #tpu.memory_space<vmem>>
    %dma_wait3A_45 = tpu.memref_squeeze %dma_wait3A_44 : memref<1x80xi32, #tpu.memory_space<vmem>> -> memref<80xi32, #tpu.memory_space<vmem>>
    %dma_wait3A_46 = arith.constant 0 : i32
    %dma_wait3A_47 = arith.constant 0 : i32
    %dma_wait3A_48 = tpu.memref_slice %arg3[%dma_wait3A_46, %dma_wait3A_47] : memref<100000x64xf32, #tpu.memory_space<hbm>> -> memref<100000x64xf32, #tpu.memory_space<hbm>>
    tpu.wait_indirect_dma semaphore(%arg8 : memref<!tpu.dma_semaphore, #tpu.memory_space<semaphore_mem>>) src(%dma_wait3A_48 : memref<100000x64xf32, #tpu.memory_space<hbm>>) dst(%dma_wait3A_42 : memref<80x64xf32, #tpu.memory_space<vmem>>)
    %dma_wait3A_49 = arith.constant 1 : i32
    %dma_wait3A_50 = arith.constant 80 : i32
    %dma_wait3A_51 = arith.constant 0 : i32
    %dma_wait3A_52 = tpu.memref_slice %arg6[%dma_wait3A_50, %dma_wait3A_51] : memref<320x64xf32, #tpu.memory_space<vmem>> -> memref<80x64xf32, #tpu.memory_space<vmem>>
    %dma_wait3A_53 = arith.constant 0 : i32
    %dma_wait3A_54 = tpu.memref_slice %arg5[%dma_wait3A_49, %dma_wait3A_53] : memref<4x80xi32, #tpu.memory_space<vmem>> -> memref<1x80xi32, #tpu.memory_space<vmem>>
    %dma_wait3A_55 = tpu.memref_squeeze %dma_wait3A_54 : memref<1x80xi32, #tpu.memory_space<vmem>> -> memref<80xi32, #tpu.memory_space<vmem>>
    %dma_wait3A_56 = arith.constant 0 : i32
    %dma_wait3A_57 = arith.constant 0 : i32
    %dma_wait3A_58 = tpu.memref_slice %arg3[%dma_wait3A_56, %dma_wait3A_57] : memref<100000x64xf32, #tpu.memory_space<hbm>> -> memref<100000x64xf32, #tpu.memory_space<hbm>>
    tpu.wait_indirect_dma semaphore(%arg8 : memref<!tpu.dma_semaphore, #tpu.memory_space<semaphore_mem>>) src(%dma_wait3A_58 : memref<100000x64xf32, #tpu.memory_space<hbm>>) dst(%dma_wait3A_52 : memref<80x64xf32, #tpu.memory_space<vmem>>)
    %dma_wait3A_59 = arith.constant 2 : i32
    %dma_wait3A_60 = arith.constant 160 : i32
    %dma_wait3A_61 = arith.constant 0 : i32
    %dma_wait3A_62 = tpu.memref_slice %arg6[%dma_wait3A_60, %dma_wait3A_61] : memref<320x64xf32, #tpu.memory_space<vmem>> -> memref<80x64xf32, #tpu.memory_space<vmem>>
    %dma_wait3A_63 = arith.constant 0 : i32
    %dma_wait3A_64 = tpu.memref_slice %arg5[%dma_wait3A_59, %dma_wait3A_63] : memref<4x80xi32, #tpu.memory_space<vmem>> -> memref<1x80xi32, #tpu.memory_space<vmem>>
    %dma_wait3A_65 = tpu.memref_squeeze %dma_wait3A_64 : memref<1x80xi32, #tpu.memory_space<vmem>> -> memref<80xi32, #tpu.memory_space<vmem>>
    %dma_wait3A_66 = arith.constant 0 : i32
    %dma_wait3A_67 = arith.constant 0 : i32
    %dma_wait3A_68 = tpu.memref_slice %arg3[%dma_wait3A_66, %dma_wait3A_67] : memref<100000x64xf32, #tpu.memory_space<hbm>> -> memref<100000x64xf32, #tpu.memory_space<hbm>>
    tpu.wait_indirect_dma semaphore(%arg8 : memref<!tpu.dma_semaphore, #tpu.memory_space<semaphore_mem>>) src(%dma_wait3A_68 : memref<100000x64xf32, #tpu.memory_space<hbm>>) dst(%dma_wait3A_62 : memref<80x64xf32, #tpu.memory_space<vmem>>)
    %dma_wait3A_69 = arith.constant 3 : i32
    %dma_wait3A_70 = arith.constant 240 : i32
    %dma_wait3A_71 = arith.constant 0 : i32
    %dma_wait3A_72 = tpu.memref_slice %arg6[%dma_wait3A_70, %dma_wait3A_71] : memref<320x64xf32, #tpu.memory_space<vmem>> -> memref<80x64xf32, #tpu.memory_space<vmem>>
    %dma_wait3A_73 = arith.constant 0 : i32
    %dma_wait3A_74 = tpu.memref_slice %arg5[%dma_wait3A_69, %dma_wait3A_73] : memref<4x80xi32, #tpu.memory_space<vmem>> -> memref<1x80xi32, #tpu.memory_space<vmem>>
    %dma_wait3A_75 = tpu.memref_squeeze %dma_wait3A_74 : memref<1x80xi32, #tpu.memory_space<vmem>> -> memref<80xi32, #tpu.memory_space<vmem>>
    %dma_wait3A_76 = arith.constant 0 : i32
    %dma_wait3A_77 = arith.constant 0 : i32
    %dma_wait3A_78 = tpu.memref_slice %arg3[%dma_wait3A_76, %dma_wait3A_77] : memref<100000x64xf32, #tpu.memory_space<hbm>> -> memref<100000x64xf32, #tpu.memory_space<hbm>>
    tpu.wait_indirect_dma semaphore(%arg8 : memref<!tpu.dma_semaphore, #tpu.memory_space<semaphore_mem>>) src(%dma_wait3A_78 : memref<100000x64xf32, #tpu.memory_space<hbm>>) dst(%dma_wait3A_72 : memref<80x64xf32, #tpu.memory_space<vmem>>)
    %scan3A = arith.constant 1.000000e-01 : f32
    %scan3A_79 = arith.constant 0 : i32
    %scan3A_80 = arith.constant 0 : i32
    %scan3A_81 = arith.constant 32 : i32
    %scan3A_82 = arith.addi %scan3A_80, %scan3A_81 : i32
    %scan3A_83 = arith.constant 1 : i32
    %scan3A_84 = scf.for %scan3A_88 = %scan3A_80 to %scan3A_82 step %scan3A_83 iter_args(%scan3A_89 = %scan3A_79) -> (i32)  : i32 {
      %mul3A_90 = arith.constant 10 : i32
      %mul3A_91 = arith.muli %scan3A_88, %mul3A_90 : i32
      %get3A = arith.index_cast %mul3A_91 : i32 to index
      %get3A_92 = arith.constant 0 : index
      %get3A_93 = tpu.vector_load %arg6[%get3A, %get3A_92] {strides = array<i32>} : memref<320x64xf32, #tpu.memory_space<vmem>>, vector<1x16xf32>,
      %get3A_94 = vector.shape_cast %get3A_93 : vector<1x16xf32> to vector<16xf32>
      %add3A_95 = arith.constant 1 : i32
      %add3A_96 = arith.addi %mul3A_91, %add3A_95 : i32
      %get3A_97 = arith.index_cast %add3A_96 : i32 to index
      %get3A_98 = arith.constant 0 : index
      %get3A_99 = tpu.vector_load %arg6[%get3A_97, %get3A_98] {strides = array<i32>} : memref<320x64xf32, #tpu.memory_space<vmem>>, vector<1x16xf32>,
      %get3A_100 = vector.shape_cast %get3A_99 : vector<1x16xf32> to vector<16xf32>
      %add3A_101 = arith.addf %get3A_94, %get3A_100 : vector<16xf32>
      %add3A_102 = arith.constant 2 : i32
      %add3A_103 = arith.addi %mul3A_91, %add3A_102 : i32
      %get3A_104 = arith.index_cast %add3A_103 : i32 to index
      %get3A_105 = arith.constant 0 : index
      %get3A_106 = tpu.vector_load %arg6[%get3A_104, %get3A_105] {strides = array<i32>} : memref<320x64xf32, #tpu.memory_space<vmem>>, vector<1x16xf32>,
      %get3A_107 = vector.shape_cast %get3A_106 : vector<1x16xf32> to vector<16xf32>
      %add3A_108 = arith.addf %add3A_101, %get3A_107 : vector<16xf32>
      %add3A_109 = arith.constant 3 : i32
      %add3A_110 = arith.addi %mul3A_91, %add3A_109 : i32
      %get3A_111 = arith.index_cast %add3A_110 : i32 to index
      %get3A_112 = arith.constant 0 : index
      %get3A_113 = tpu.vector_load %arg6[%get3A_111, %get3A_112] {strides = array<i32>} : memref<320x64xf32, #tpu.memory_space<vmem>>, vector<1x16xf32>,
      %get3A_114 = vector.shape_cast %get3A_113 : vector<1x16xf32> to vector<16xf32>
      %add3A_115 = arith.addf %add3A_108, %get3A_114 : vector<16xf32>
      %add3A_116 = arith.constant 4 : i32
      %add3A_117 = arith.addi %mul3A_91, %add3A_116 : i32
      %get3A_118 = arith.index_cast %add3A_117 : i32 to index
      %get3A_119 = arith.constant 0 : index
      %get3A_120 = tpu.vector_load %arg6[%get3A_118, %get3A_119] {strides = array<i32>} : memref<320x64xf32, #tpu.memory_space<vmem>>, vector<1x16xf32>,
      %get3A_121 = vector.shape_cast %get3A_120 : vector<1x16xf32> to vector<16xf32>
      %add3A_122 = arith.addf %add3A_115, %get3A_121 : vector<16xf32>
      %add3A_123 = arith.constant 5 : i32
      %add3A_124 = arith.addi %mul3A_91, %add3A_123 : i32
      %get3A_125 = arith.index_cast %add3A_124 : i32 to index
      %get3A_126 = arith.constant 0 : index
      %get3A_127 = tpu.vector_load %arg6[%get3A_125, %get3A_126] {strides = array<i32>} : memref<320x64xf32, #tpu.memory_space<vmem>>, vector<1x16xf32>,
      %get3A_128 = vector.shape_cast %get3A_127 : vector<1x16xf32> to vector<16xf32>
      %add3A_129 = arith.addf %add3A_122, %get3A_128 : vector<16xf32>
      %add3A_130 = arith.constant 6 : i32
      %add3A_131 = arith.addi %mul3A_91, %add3A_130 : i32
      %get3A_132 = arith.index_cast %add3A_131 : i32 to index
      %get3A_133 = arith.constant 0 : index
      %get3A_134 = tpu.vector_load %arg6[%get3A_132, %get3A_133] {strides = array<i32>} : memref<320x64xf32, #tpu.memory_space<vmem>>, vector<1x16xf32>,
      %get3A_135 = vector.shape_cast %get3A_134 : vector<1x16xf32> to vector<16xf32>
      %add3A_136 = arith.addf %add3A_129, %get3A_135 : vector<16xf32>
      %add3A_137 = arith.constant 7 : i32
      %add3A_138 = arith.addi %mul3A_91, %add3A_137 : i32
      %get3A_139 = arith.index_cast %add3A_138 : i32 to index
      %get3A_140 = arith.constant 0 : index
      %get3A_141 = tpu.vector_load %arg6[%get3A_139, %get3A_140] {strides = array<i32>} : memref<320x64xf32, #tpu.memory_space<vmem>>, vector<1x16xf32>,
      %get3A_142 = vector.shape_cast %get3A_141 : vector<1x16xf32> to vector<16xf32>
      %add3A_143 = arith.addf %add3A_136, %get3A_142 : vector<16xf32>
      %add3A_144 = arith.constant 8 : i32
      %add3A_145 = arith.addi %mul3A_91, %add3A_144 : i32
      %get3A_146 = arith.index_cast %add3A_145 : i32 to index
      %get3A_147 = arith.constant 0 : index
      %get3A_148 = tpu.vector_load %arg6[%get3A_146, %get3A_147] {strides = array<i32>} : memref<320x64xf32, #tpu.memory_space<vmem>>, vector<1x16xf32>,
      %get3A_149 = vector.shape_cast %get3A_148 : vector<1x16xf32> to vector<16xf32>
      %add3A_150 = arith.addf %add3A_143, %get3A_149 : vector<16xf32>
      %add3A_151 = arith.constant 9 : i32
      %add3A_152 = arith.addi %mul3A_91, %add3A_151 : i32
      %get3A_153 = arith.index_cast %add3A_152 : i32 to index
      %get3A_154 = arith.constant 0 : index
      %get3A_155 = tpu.vector_load %arg6[%get3A_153, %get3A_154] {strides = array<i32>} : memref<320x64xf32, #tpu.memory_space<vmem>>, vector<1x16xf32>,
      %get3A_156 = vector.shape_cast %get3A_155 : vector<1x16xf32> to vector<16xf32>
      %add3A_157 = arith.addf %add3A_150, %get3A_156 : vector<16xf32>
      %mul3A_158 = vector.broadcast %scan3A : f32 to vector<16xf32>
      %mul3A_159 = arith.mulf %add3A_157, %mul3A_158 : vector<16xf32>
      %swap3A = arith.index_cast %scan3A_88 : i32 to index
      %swap3A_160 = arith.constant 0 : index
      %swap3A_161 = tpu.vector_load %arg7[%swap3A, %swap3A_160] {strides = array<i32>} : memref<32x64xf32, #tpu.memory_space<vmem>>, vector<1x16xf32>,
      %swap3A_162 = vector.shape_cast %swap3A_161 : vector<1x16xf32> to vector<16xf32>
      %swap3A_163 = vector.shape_cast %mul3A_159 : vector<16xf32> to vector<1x16xf32>
      tpu.vector_store %arg7[%swap3A, %swap3A_160], %swap3A_163 {strides = array<i32>} : memref<32x64xf32, #tpu.memory_space<vmem>>, vector<1x16xf32>,
      %get3A_164 = arith.index_cast %mul3A_91 : i32 to index
      %get3A_165 = arith.constant 16 : index
      %get3A_166 = tpu.vector_load %arg6[%get3A_164, %get3A_165] {strides = array<i32>} : memref<320x64xf32, #tpu.memory_space<vmem>>, vector<1x16xf32>,
      %get3A_167 = vector.shape_cast %get3A_166 : vector<1x16xf32> to vector<16xf32>
      %add3A_168 = arith.constant 1 : i32
      %add3A_169 = arith.addi %mul3A_91, %add3A_168 : i32
      %get3A_170 = arith.index_cast %add3A_169 : i32 to index
      %get3A_171 = arith.constant 16 : index
      %get3A_172 = tpu.vector_load %arg6[%get3A_170, %get3A_171] {strides = array<i32>} : memref<320x64xf32, #tpu.memory_space<vmem>>, vector<1x16xf32>,
      %get3A_173 = vector.shape_cast %get3A_172 : vector<1x16xf32> to vector<16xf32>
      %add3A_174 = arith.addf %get3A_167, %get3A_173 : vector<16xf32>
      %add3A_175 = arith.constant 2 : i32
      %add3A_176 = arith.addi %mul3A_91, %add3A_175 : i32
      %get3A_177 = arith.index_cast %add3A_176 : i32 to index
      %get3A_178 = arith.constant 16 : index
      %get3A_179 = tpu.vector_load %arg6[%get3A_177, %get3A_178] {strides = array<i32>} : memref<320x64xf32, #tpu.memory_space<vmem>>, vector<1x16xf32>,
      %get3A_180 = vector.shape_cast %get3A_179 : vector<1x16xf32> to vector<16xf32>
      %add3A_181 = arith.addf %add3A_174, %get3A_180 : vector<16xf32>
      %add3A_182 = arith.constant 3 : i32
      %add3A_183 = arith.addi %mul3A_91, %add3A_182 : i32
      %get3A_184 = arith.index_cast %add3A_183 : i32 to index
      %get3A_185 = arith.constant 16 : index
      %get3A_186 = tpu.vector_load %arg6[%get3A_184, %get3A_185] {strides = array<i32>} : memref<320x64xf32, #tpu.memory_space<vmem>>, vector<1x16xf32>,
      %get3A_187 = vector.shape_cast %get3A_186 : vector<1x16xf32> to vector<16xf32>
      %add3A_188 = arith.addf %add3A_181, %get3A_187 : vector<16xf32>
      %add3A_189 = arith.constant 4 : i32
      %add3A_190 = arith.addi %mul3A_91, %add3A_189 : i32
      %get3A_191 = arith.index_cast %add3A_190 : i32 to index
      %get3A_192 = arith.constant 16 : index
      %get3A_193 = tpu.vector_load %arg6[%get3A_191, %get3A_192] {strides = array<i32>} : memref<320x64xf32, #tpu.memory_space<vmem>>, vector<1x16xf32>,
      %get3A_194 = vector.shape_cast %get3A_193 : vector<1x16xf32> to vector<16xf32>
      %add3A_195 = arith.addf %add3A_188, %get3A_194 : vector<16xf32>
      %add3A_196 = arith.constant 5 : i32
      %add3A_197 = arith.addi %mul3A_91, %add3A_196 : i32
      %get3A_198 = arith.index_cast %add3A_197 : i32 to index
      %get3A_199 = arith.constant 16 : index
      %get3A_200 = tpu.vector_load %arg6[%get3A_198, %get3A_199] {strides = array<i32>} : memref<320x64xf32, #tpu.memory_space<vmem>>, vector<1x16xf32>,
      %get3A_201 = vector.shape_cast %get3A_200 : vector<1x16xf32> to vector<16xf32>
      %add3A_202 = arith.addf %add3A_195, %get3A_201 : vector<16xf32>
      %add3A_203 = arith.constant 6 : i32
      %add3A_204 = arith.addi %mul3A_91, %add3A_203 : i32
      %get3A_205 = arith.index_cast %add3A_204 : i32 to index
      %get3A_206 = arith.constant 16 : index
      %get3A_207 = tpu.vector_load %arg6[%get3A_205, %get3A_206] {strides = array<i32>} : memref<320x64xf32, #tpu.memory_space<vmem>>, vector<1x16xf32>,
      %get3A_208 = vector.shape_cast %get3A_207 : vector<1x16xf32> to vector<16xf32>
      %add3A_209 = arith.addf %add3A_202, %get3A_208 : vector<16xf32>
      %add3A_210 = arith.constant 7 : i32
      %add3A_211 = arith.addi %mul3A_91, %add3A_210 : i32
      %get3A_212 = arith.index_cast %add3A_211 : i32 to index
      %get3A_213 = arith.constant 16 : index
      %get3A_214 = tpu.vector_load %arg6[%get3A_212, %get3A_213] {strides = array<i32>} : memref<320x64xf32, #tpu.memory_space<vmem>>, vector<1x16xf32>,
      %get3A_215 = vector.shape_cast %get3A_214 : vector<1x16xf32> to vector<16xf32>
      %add3A_216 = arith.addf %add3A_209, %get3A_215 : vector<16xf32>
      %add3A_217 = arith.constant 8 : i32
      %add3A_218 = arith.addi %mul3A_91, %add3A_217 : i32
      %get3A_219 = arith.index_cast %add3A_218 : i32 to index
      %get3A_220 = arith.constant 16 : index
      %get3A_221 = tpu.vector_load %arg6[%get3A_219, %get3A_220] {strides = array<i32>} : memref<320x64xf32, #tpu.memory_space<vmem>>, vector<1x16xf32>,
      %get3A_222 = vector.shape_cast %get3A_221 : vector<1x16xf32> to vector<16xf32>
      %add3A_223 = arith.addf %add3A_216, %get3A_222 : vector<16xf32>
      %add3A_224 = arith.constant 9 : i32
      %add3A_225 = arith.addi %mul3A_91, %add3A_224 : i32
      %get3A_226 = arith.index_cast %add3A_225 : i32 to index
      %get3A_227 = arith.constant 16 : index
      %get3A_228 = tpu.vector_load %arg6[%get3A_226, %get3A_227] {strides = array<i32>} : memref<320x64xf32, #tpu.memory_space<vmem>>, vector<1x16xf32>,
      %get3A_229 = vector.shape_cast %get3A_228 : vector<1x16xf32> to vector<16xf32>
      %add3A_230 = arith.addf %add3A_223, %get3A_229 : vector<16xf32>
      %mul3A_231 = vector.broadcast %scan3A : f32 to vector<16xf32>
      %mul3A_232 = arith.mulf %add3A_230, %mul3A_231 : vector<16xf32>
      %swap3A_233 = arith.index_cast %scan3A_88 : i32 to index
      %swap3A_234 = arith.constant 16 : index
      %swap3A_235 = tpu.vector_load %arg7[%swap3A_233, %swap3A_234] {strides = array<i32>} : memref<32x64xf32, #tpu.memory_space<vmem>>, vector<1x16xf32>,
      %swap3A_236 = vector.shape_cast %swap3A_235 : vector<1x16xf32> to vector<16xf32>
      %swap3A_237 = vector.shape_cast %mul3A_232 : vector<16xf32> to vector<1x16xf32>
      tpu.vector_store %arg7[%swap3A_233, %swap3A_234], %swap3A_237 {strides = array<i32>} : memref<32x64xf32, #tpu.memory_space<vmem>>, vector<1x16xf32>,
      %get3A_238 = arith.index_cast %mul3A_91 : i32 to index
      %get3A_239 = arith.constant 32 : index
      %get3A_240 = tpu.vector_load %arg6[%get3A_238, %get3A_239] {strides = array<i32>} : memref<320x64xf32, #tpu.memory_space<vmem>>, vector<1x16xf32>,
      %get3A_241 = vector.shape_cast %get3A_240 : vector<1x16xf32> to vector<16xf32>
      %add3A_242 = arith.constant 1 : i32
      %add3A_243 = arith.addi %mul3A_91, %add3A_242 : i32
      %get3A_244 = arith.index_cast %add3A_243 : i32 to index
      %get3A_245 = arith.constant 32 : index
      %get3A_246 = tpu.vector_load %arg6[%get3A_244, %get3A_245] {strides = array<i32>} : memref<320x64xf32, #tpu.memory_space<vmem>>, vector<1x16xf32>,
      %get3A_247 = vector.shape_cast %get3A_246 : vector<1x16xf32> to vector<16xf32>
      %add3A_248 = arith.addf %get3A_241, %get3A_247 : vector<16xf32>
      %add3A_249 = arith.constant 2 : i32
      %add3A_250 = arith.addi %mul3A_91, %add3A_249 : i32
      %get3A_251 = arith.index_cast %add3A_250 : i32 to index
      %get3A_252 = arith.constant 32 : index
      %get3A_253 = tpu.vector_load %arg6[%get3A_251, %get3A_252] {strides = array<i32>} : memref<320x64xf32, #tpu.memory_space<vmem>>, vector<1x16xf32>,
      %get3A_254 = vector.shape_cast %get3A_253 : vector<1x16xf32> to vector<16xf32>
      %add3A_255 = arith.addf %add3A_248, %get3A_254 : vector<16xf32>
      %add3A_256 = arith.constant 3 : i32
      %add3A_257 = arith.addi %mul3A_91, %add3A_256 : i32
      %get3A_258 = arith.index_cast %add3A_257 : i32 to index
      %get3A_259 = arith.constant 32 : index
      %get3A_260 = tpu.vector_load %arg6[%get3A_258, %get3A_259] {strides = array<i32>} : memref<320x64xf32, #tpu.memory_space<vmem>>, vector<1x16xf32>,
      %get3A_261 = vector.shape_cast %get3A_260 : vector<1x16xf32> to vector<16xf32>
      %add3A_262 = arith.addf %add3A_255, %get3A_261 : vector<16xf32>
      %add3A_263 = arith.constant 4 : i32
      %add3A_264 = arith.addi %mul3A_91, %add3A_263 : i32
      %get3A_265 = arith.index_cast %add3A_264 : i32 to index
      %get3A_266 = arith.constant 32 : index
      %get3A_267 = tpu.vector_load %arg6[%get3A_265, %get3A_266] {strides = array<i32>} : memref<320x64xf32, #tpu.memory_space<vmem>>, vector<1x16xf32>,
      %get3A_268 = vector.shape_cast %get3A_267 : vector<1x16xf32> to vector<16xf32>
      %add3A_269 = arith.addf %add3A_262, %get3A_268 : vector<16xf32>
      %add3A_270 = arith.constant 5 : i32
      %add3A_271 = arith.addi %mul3A_91, %add3A_270 : i32
      %get3A_272 = arith.index_cast %add3A_271 : i32 to index
      %get3A_273 = arith.constant 32 : index
      %get3A_274 = tpu.vector_load %arg6[%get3A_272, %get3A_273] {strides = array<i32>} : memref<320x64xf32, #tpu.memory_space<vmem>>, vector<1x16xf32>,
      %get3A_275 = vector.shape_cast %get3A_274 : vector<1x16xf32> to vector<16xf32>
      %add3A_276 = arith.addf %add3A_269, %get3A_275 : vector<16xf32>
      %add3A_277 = arith.constant 6 : i32
      %add3A_278 = arith.addi %mul3A_91, %add3A_277 : i32
      %get3A_279 = arith.index_cast %add3A_278 : i32 to index
      %get3A_280 = arith.constant 32 : index
      %get3A_281 = tpu.vector_load %arg6[%get3A_279, %get3A_280] {strides = array<i32>} : memref<320x64xf32, #tpu.memory_space<vmem>>, vector<1x16xf32>,
      %get3A_282 = vector.shape_cast %get3A_281 : vector<1x16xf32> to vector<16xf32>
      %add3A_283 = arith.addf %add3A_276, %get3A_282 : vector<16xf32>
      %add3A_284 = arith.constant 7 : i32
      %add3A_285 = arith.addi %mul3A_91, %add3A_284 : i32
      %get3A_286 = arith.index_cast %add3A_285 : i32 to index
      %get3A_287 = arith.constant 32 : index
      %get3A_288 = tpu.vector_load %arg6[%get3A_286, %get3A_287] {strides = array<i32>} : memref<320x64xf32, #tpu.memory_space<vmem>>, vector<1x16xf32>,
      %get3A_289 = vector.shape_cast %get3A_288 : vector<1x16xf32> to vector<16xf32>
      %add3A_290 = arith.addf %add3A_283, %get3A_289 : vector<16xf32>
      %add3A_291 = arith.constant 8 : i32
      %add3A_292 = arith.addi %mul3A_91, %add3A_291 : i32
      %get3A_293 = arith.index_cast %add3A_292 : i32 to index
      %get3A_294 = arith.constant 32 : index
      %get3A_295 = tpu.vector_load %arg6[%get3A_293, %get3A_294] {strides = array<i32>} : memref<320x64xf32, #tpu.memory_space<vmem>>, vector<1x16xf32>,
      %get3A_296 = vector.shape_cast %get3A_295 : vector<1x16xf32> to vector<16xf32>
      %add3A_297 = arith.addf %add3A_290, %get3A_296 : vector<16xf32>
      %add3A_298 = arith.constant 9 : i32
      %add3A_299 = arith.addi %mul3A_91, %add3A_298 : i32
      %get3A_300 = arith.index_cast %add3A_299 : i32 to index
      %get3A_301 = arith.constant 32 : index
      %get3A_302 = tpu.vector_load %arg6[%get3A_300, %get3A_301] {strides = array<i32>} : memref<320x64xf32, #tpu.memory_space<vmem>>, vector<1x16xf32>,
      %get3A_303 = vector.shape_cast %get3A_302 : vector<1x16xf32> to vector<16xf32>
      %add3A_304 = arith.addf %add3A_297, %get3A_303 : vector<16xf32>
      %mul3A_305 = vector.broadcast %scan3A : f32 to vector<16xf32>
      %mul3A_306 = arith.mulf %add3A_304, %mul3A_305 : vector<16xf32>
      %swap3A_307 = arith.index_cast %scan3A_88 : i32 to index
      %swap3A_308 = arith.constant 32 : index
      %swap3A_309 = tpu.vector_load %arg7[%swap3A_307, %swap3A_308] {strides = array<i32>} : memref<32x64xf32, #tpu.memory_space<vmem>>, vector<1x16xf32>,
      %swap3A_310 = vector.shape_cast %swap3A_309 : vector<1x16xf32> to vector<16xf32>
      %swap3A_311 = vector.shape_cast %mul3A_306 : vector<16xf32> to vector<1x16xf32>
      tpu.vector_store %arg7[%swap3A_307, %swap3A_308], %swap3A_311 {strides = array<i32>} : memref<32x64xf32, #tpu.memory_space<vmem>>, vector<1x16xf32>,
      %get3A_312 = arith.index_cast %mul3A_91 : i32 to index
      %get3A_313 = arith.constant 48 : index
      %get3A_314 = tpu.vector_load %arg6[%get3A_312, %get3A_313] {strides = array<i32>} : memref<320x64xf32, #tpu.memory_space<vmem>>, vector<1x16xf32>,
      %get3A_315 = vector.shape_cast %get3A_314 : vector<1x16xf32> to vector<16xf32>
      %add3A_316 = arith.constant 1 : i32
      %add3A_317 = arith.addi %mul3A_91, %add3A_316 : i32
      %get3A_318 = arith.index_cast %add3A_317 : i32 to index
      %get3A_319 = arith.constant 48 : index
      %get3A_320 = tpu.vector_load %arg6[%get3A_318, %get3A_319] {strides = array<i32>} : memref<320x64xf32, #tpu.memory_space<vmem>>, vector<1x16xf32>,
      %get3A_321 = vector.shape_cast %get3A_320 : vector<1x16xf32> to vector<16xf32>
      %add3A_322 = arith.addf %get3A_315, %get3A_321 : vector<16xf32>
      %add3A_323 = arith.constant 2 : i32
      %add3A_324 = arith.addi %mul3A_91, %add3A_323 : i32
      %get3A_325 = arith.index_cast %add3A_324 : i32 to index
      %get3A_326 = arith.constant 48 : index
      %get3A_327 = tpu.vector_load %arg6[%get3A_325, %get3A_326] {strides = array<i32>} : memref<320x64xf32, #tpu.memory_space<vmem>>, vector<1x16xf32>,
      %get3A_328 = vector.shape_cast %get3A_327 : vector<1x16xf32> to vector<16xf32>
      %add3A_329 = arith.addf %add3A_322, %get3A_328 : vector<16xf32>
      %add3A_330 = arith.constant 3 : i32
      %add3A_331 = arith.addi %mul3A_91, %add3A_330 : i32
      %get3A_332 = arith.index_cast %add3A_331 : i32 to index
      %get3A_333 = arith.constant 48 : index
      %get3A_334 = tpu.vector_load %arg6[%get3A_332, %get3A_333] {strides = array<i32>} : memref<320x64xf32, #tpu.memory_space<vmem>>, vector<1x16xf32>,
      %get3A_335 = vector.shape_cast %get3A_334 : vector<1x16xf32> to vector<16xf32>
      %add3A_336 = arith.addf %add3A_329, %get3A_335 : vector<16xf32>
      %add3A_337 = arith.constant 4 : i32
      %add3A_338 = arith.addi %mul3A_91, %add3A_337 : i32
      %get3A_339 = arith.index_cast %add3A_338 : i32 to index
      %get3A_340 = arith.constant 48 : index
      %get3A_341 = tpu.vector_load %arg6[%get3A_339, %get3A_340] {strides = array<i32>} : memref<320x64xf32, #tpu.memory_space<vmem>>, vector<1x16xf32>,
      %get3A_342 = vector.shape_cast %get3A_341 : vector<1x16xf32> to vector<16xf32>
      %add3A_343 = arith.addf %add3A_336, %get3A_342 : vector<16xf32>
      %add3A_344 = arith.constant 5 : i32
      %add3A_345 = arith.addi %mul3A_91, %add3A_344 : i32
      %get3A_346 = arith.index_cast %add3A_345 : i32 to index
      %get3A_347 = arith.constant 48 : index
      %get3A_348 = tpu.vector_load %arg6[%get3A_346, %get3A_347] {strides = array<i32>} : memref<320x64xf32, #tpu.memory_space<vmem>>, vector<1x16xf32>,
      %get3A_349 = vector.shape_cast %get3A_348 : vector<1x16xf32> to vector<16xf32>
      %add3A_350 = arith.addf %add3A_343, %get3A_349 : vector<16xf32>
      %add3A_351 = arith.constant 6 : i32
      %add3A_352 = arith.addi %mul3A_91, %add3A_351 : i32
      %get3A_353 = arith.index_cast %add3A_352 : i32 to index
      %get3A_354 = arith.constant 48 : index
      %get3A_355 = tpu.vector_load %arg6[%get3A_353, %get3A_354] {strides = array<i32>} : memref<320x64xf32, #tpu.memory_space<vmem>>, vector<1x16xf32>,
      %get3A_356 = vector.shape_cast %get3A_355 : vector<1x16xf32> to vector<16xf32>
      %add3A_357 = arith.addf %add3A_350, %get3A_356 : vector<16xf32>
      %add3A_358 = arith.constant 7 : i32
      %add3A_359 = arith.addi %mul3A_91, %add3A_358 : i32
      %get3A_360 = arith.index_cast %add3A_359 : i32 to index
      %get3A_361 = arith.constant 48 : index
      %get3A_362 = tpu.vector_load %arg6[%get3A_360, %get3A_361] {strides = array<i32>} : memref<320x64xf32, #tpu.memory_space<vmem>>, vector<1x16xf32>,
      %get3A_363 = vector.shape_cast %get3A_362 : vector<1x16xf32> to vector<16xf32>
      %add3A_364 = arith.addf %add3A_357, %get3A_363 : vector<16xf32>
      %add3A_365 = arith.constant 8 : i32
      %add3A_366 = arith.addi %mul3A_91, %add3A_365 : i32
      %get3A_367 = arith.index_cast %add3A_366 : i32 to index
      %get3A_368 = arith.constant 48 : index
      %get3A_369 = tpu.vector_load %arg6[%get3A_367, %get3A_368] {strides = array<i32>} : memref<320x64xf32, #tpu.memory_space<vmem>>, vector<1x16xf32>,
      %get3A_370 = vector.shape_cast %get3A_369 : vector<1x16xf32> to vector<16xf32>
      %add3A_371 = arith.addf %add3A_364, %get3A_370 : vector<16xf32>
      %add3A_372 = arith.constant 9 : i32
      %add3A_373 = arith.addi %mul3A_91, %add3A_372 : i32
      %get3A_374 = arith.index_cast %add3A_373 : i32 to index
      %get3A_375 = arith.constant 48 : index
      %get3A_376 = tpu.vector_load %arg6[%get3A_374, %get3A_375] {strides = array<i32>} : memref<320x64xf32, #tpu.memory_space<vmem>>, vector<1x16xf32>,
      %get3A_377 = vector.shape_cast %get3A_376 : vector<1x16xf32> to vector<16xf32>
      %add3A_378 = arith.addf %add3A_371, %get3A_377 : vector<16xf32>
      %mul3A_379 = vector.broadcast %scan3A : f32 to vector<16xf32>
      %mul3A_380 = arith.mulf %add3A_378, %mul3A_379 : vector<16xf32>
      %swap3A_381 = arith.index_cast %scan3A_88 : i32 to index
      %swap3A_382 = arith.constant 48 : index
      %swap3A_383 = tpu.vector_load %arg7[%swap3A_381, %swap3A_382] {strides = array<i32>} : memref<32x64xf32, #tpu.memory_space<vmem>>, vector<1x16xf32>,
      %swap3A_384 = vector.shape_cast %swap3A_383 : vector<1x16xf32> to vector<16xf32>
      %swap3A_385 = vector.shape_cast %mul3A_380 : vector<16xf32> to vector<1x16xf32>
      tpu.vector_store %arg7[%swap3A_381, %swap3A_382], %swap3A_385 {strides = array<i32>} : memref<32x64xf32, #tpu.memory_space<vmem>>, vector<1x16xf32>,
      %scan3A_386 = arith.constant 0 : i32
      scf.yield %scan3A_386 : i32
    }
    %scan3A_85 = arith.constant 32 : i32
    %mul3A_86 = arith.constant 32 : i32
    %mul3A_87 = arith.muli %add3A, %mul3A_86 : i32
    "tpu.region"() ({
      %run_scoped3A = tpu.sem_alloc : memref<!tpu.dma_semaphore, #tpu.memory_space<semaphore_mem>>
      %dma_start3A_88 = arith.constant 0 : i32
      %dma_start3A_89 = tpu.memref_slice %arg4[%mul3A_87, %dma_start3A_88] : memref<1024x64xf32, #tpu.memory_space<hbm>> -> memref<32x64xf32, #tpu.memory_space<hbm>>
      %dma_start3A_90 = arith.constant 0 : i32
      %dma_start3A_91 = tpu.memref_slice %arg4[%mul3A_87, %dma_start3A_90] : memref<1024x64xf32, #tpu.memory_space<hbm>> -> memref<32x64xf32, #tpu.memory_space<hbm>>
      tpu.enqueue_dma source(%arg7 : memref<32x64xf32, #tpu.memory_space<vmem>>) target(%dma_start3A_91 : memref<32x64xf32, #tpu.memory_space<hbm>>) target_semaphore(%run_scoped3A : memref<!tpu.dma_semaphore, #tpu.memory_space<semaphore_mem>>)
      %dma_wait3A_92 = arith.constant 0 : i32
      %dma_wait3A_93 = tpu.memref_slice %arg4[%mul3A_87, %dma_wait3A_92] : memref<1024x64xf32, #tpu.memory_space<hbm>> -> memref<32x64xf32, #tpu.memory_space<hbm>>
      %dma_wait3A_94 = arith.constant 0 : i32
      %dma_wait3A_95 = tpu.memref_slice %arg4[%mul3A_87, %dma_wait3A_94] : memref<1024x64xf32, #tpu.memory_space<hbm>> -> memref<32x64xf32, #tpu.memory_space<hbm>>
      tpu.wait_dma2 semaphore(%run_scoped3A : memref<!tpu.dma_semaphore, #tpu.memory_space<semaphore_mem>>) src(%arg7 : memref<32x64xf32, #tpu.memory_space<vmem>>) dst(%dma_wait3A_95 : memref<32x64xf32, #tpu.memory_space<hbm>>)
      tpu.yield
    }) : () -> ()
    return
  }
}

module attributes {stable_mosaic.version = 14 : i64} {
  func.func @_mmt_body(%arg0: i32, %arg1: memref<1024x64xf32, #tpu.memory_space<vmem>>, %arg2: memref<64x6144xf32, #tpu.memory_space<vmem>>, %arg3: memref<6144x1024xf32, #tpu.memory_space<vmem>>) attributes {dimension_semantics = [#tpu.dimension_semantics<arbitrary>], iteration_bounds = array<i64: 17>, scalar_prefetch = 0 : i64, scratch_operands = 0 : i64, tpu.core_type = #tpu.core_type<tc>, window_params = [{pipeline_mode = #tpu.pipeline_mode<synchronous>, transform_indices = @transform_0, window_bounds = array<i64: 1024, 64>}, {transform_indices = @transform_1, window_bounds = array<i64: 64, 6144>}, {transform_indices = @transform_2, window_bounds = array<i64: 6144, 1024>}]} {
    %get3A = arith.constant 0 : index
    %get3A_0 = arith.constant 0 : index
    %get3A_1 = vector.load %arg2[%get3A, %get3A_0] : memref<64x6144xf32, #tpu.memory_space<vmem>>, vector<64x6144xf32>
    %convert_element_type3A = arith.truncf %get3A_1 : vector<64x6144xf32> to vector<64x6144xbf16>
    %get3A_2 = arith.constant 0 : index
    %get3A_3 = arith.constant 0 : index
    %get3A_4 = vector.load %arg1[%get3A_2, %get3A_3] : memref<1024x64xf32, #tpu.memory_space<vmem>>, vector<1024x64xf32>
    %convert_element_type3A_5 = arith.truncf %get3A_4 : vector<1024x64xf32> to vector<1024x64xbf16>
    %dot_general3A = arith.constant dense<0.000000e+00> : vector<6144x1024xf32>
    %dot_general3A_6 = tpu.matmul %convert_element_type3A, %convert_element_type3A_5, %dot_general3A {dimension_numbers = #tpu.dot_dimension_numbers<[0], [1], [1], [0], [0, 1, 1, 0], [], []>, transpose_lhs_hint = false} : vector<64x6144xbf16>, vector<1024x64xbf16>, vector<6144x1024xf32> -> vector<6144x1024xf32>
    %swap3A = arith.constant 0 : index
    %swap3A_7 = arith.constant 0 : index
    %swap3A_8 = vector.load %arg3[%swap3A, %swap3A_7] : memref<6144x1024xf32, #tpu.memory_space<vmem>>, vector<6144x1024xf32>
    tpu.vector_store %arg3[%swap3A, %swap3A_7], %dot_general3A_6 {strides = array<i32>} : memref<6144x1024xf32, #tpu.memory_space<vmem>>, vector<6144x1024xf32>,
    return
  }
  func.func @transform_0(%arg0: i32) -> (i32, i32) {
    %c0_i32 = arith.constant 0 : i32
    %c0_i32_0 = arith.constant 0 : i32
    %c0_i32_1 = arith.constant 0 : i32
    return %c0_i32, %c0_i32_0 : i32, i32
  }
  func.func @transform_1(%arg0: i32) -> (i32, i32) {
    %c0_i32 = arith.constant 0 : i32
    %c0_i32_0 = arith.constant 0 : i32
    return %c0_i32, %arg0 : i32, i32
  }
  func.func @transform_2(%arg0: i32) -> (i32, i32) {
    %c0_i32 = arith.constant 0 : i32
    %c0_i32_0 = arith.constant 0 : i32
    return %arg0, %c0_i32 : i32, i32
  }
}

</mosaic_0001>

<sc_bundles>
// kernel: kernel.4.cloned.1.call-start
scs
__scs_entry_jumppad:
0x0: {  	(pc) =	sbr.rel $0x88, $3  }
0x1: {  	(tag) =	ssettag $0x0;
	lr =	simm.s32 $0x1  }
0x2: {  	[smem:$0x3F9E] =	sst lr;
	_ =	strace $0xD0000000  }
0x3: {  	_ = 	snop  }
0x4: {  	_ = 	snop  }
0x5: {  	_ = 	snop  }
0x6: {  	_ = 	snop  }
0x7: {  	_ = 	snop  }
__scs_overlays_trampoline_lowered:
0x8: {  	[smem:$0x3FAD] =	sst s0  }
0x9: {  	[smem:$0x3FAE] =	sst s1  }
0xa: {  	[smem:$0x3FAF] =	sst s2  }
0xb: {  	[smem:$0x3FB0] =	sst s3  }
0xc: {  	[smem:$0x3FB1] =	sst s4  }
0xd: {  	[smem:$0x3FB2] =	sst s5  }
0xe: {  	[smem:$0x3FB3] =	sst s6  }
0xf: {  	[smem:$0x3FB4] =	sst s7  }
0x10: {  	[smem:$0x3FB5] =	sst s8  }
0x11: {  	[smem:$0x3FB6] =	sst s9;
	s0 =	simm.s32 @!p0 $0x0  }
0x12: {  	s1 =	sld [smem:$0x3F9C];
	s0 =	simm.s32 @p0 $0x1  }
0x13: {  	[smem:$0x3FB7] =	sst s0;
	s0 =	simm.s32 @!p1 $0x0  }
0x14: {  	s2 =	sld [smem:$0x3F9B];
	s0 =	simm.s32 @p1 $0x1  }
0x15: {  	[smem:$0x3FB8] =	sst s0;
	s0 =	simm.s32 @!p2 $0x0  }
0x16: {  	s3 =	sld [smem:$0x3FDB];
	s0 =	simm.s32 @p2 $0x1  }
0x17: {  	s4 =	simm.s32 $0x1BF5;
	[smem:$0x3FBA] =	sst s0  }
0x18: {  	s0 =	sld [smem:$0x3F9D];
	_ =	swait.ge [sflag:s4], $0x0  }
0x19: {  	s7 =	sld [smem:$0x3F9E]  }
0x1a: {  	s8 =	sadd.s32 $0xFFFFE003, lr  }
0x1b: {  	s9 =	sadd.s32 $0xFFFFFEF7, lr;
	s5 =	simm.s32 $0xFFFFFFFF;
	p2 =	slt.u32 s8, $0xFFFFF086  }
0x1c: {  	p1 =	slt.u32 s9, $0xF7A;
	s5 =	simm.s32 @!p2 $0x0  }
0x1d: {  	s5 =	simm.s32 @p1 $0x1;
	p0 =	seq.s32 s7, s2  }
0x1e: {  	s7 =	smul.u32 @!p0 $0xF7A, s2;
	p2 =	seq.s32 @!p0 s5, $0x0  }
0x1f: {  	s9 =	smul.u32 $0xF7A, s1;
	s8 =	simm.s32 @!p0 $0x1BF5;
	p2 =	por !p2, p0  }
0x20: {  	[sflag:s8] =	ssyncset.s32 @!p0 $0xFFFFF086;
	s6 =	sadd.s32 @!p0 s3, s7;
	s7 =	simm.s32 @!p0 $0x108  }
0x21: {  	s3 =	sadd.s32 s3, s9;
	s6 =	sadd.s32 @!p0 $0x88, s6;
	s7 =	simm.s32 @p2 $0x1082  }
0x22: {  	[simem:s7], [sflag:s8] =	dma.local @!p0 [hbm:s6], $0xF7A  }
0x23: {  	s9 =	sor.u32 $0xD0000000, s2;
	s6 =	simm.s32 $0x108;
	_ =	swait.ge @!p0 [sflag:s8], $0x0  }
0x24: {  	s3 =	sadd.s32 $0x88, s3;
	s6 =	simm.s32 @!p1 $0x1082;
	[sflag:s4] =	ssyncset.s32 $0xFFFFF086  }
0x25: {  	[simem:s6], [sflag:s4] =	dma.local [hbm:s3], $0xF7A  }
0x26: {  	[smem:$0x3F9E] =	sst s1;
	(tag) =	ssettag s2;
	_ =	strace s9  }
0x27: {  	s1 =	sld [smem:$0x3FAE]  }
0x28: {  	s2 =	sld [smem:$0x3FAF]  }
0x29: {  	s4 =	sld [smem:$0x3FB1]  }
0x2a: {  	p0 =	seq.s32 s5, $0x0;
	s5 =	sld [smem:$0x3FB2]  }
0x2b: {  	s6 =	sld [smem:$0x3FB3]  }
0x2c: {  	s7 =	sld [smem:$0x3FB4]  }
0x2d: {  	s3 =	simm.s32 $0x108;
	s8 =	sld [smem:$0x3FB5]  }
0x2e: {  	s3 =	simm.s32 @!p0 $0x1082;
	s9 =	sld [smem:$0x3FB6]  }
0x2f: {  	lr =	sadd.s32 s0, s3;
	s0 =	sld [smem:$0x3FAD]  }
0x30: {  	s3 =	sld [smem:$0x3FB0]  }
0x31: {  	[smem:$0x3FB9] =	sst s10  }
0x32: {  	s10 =	sld [smem:$0x3FB7];
	_ =	sdelay $0x3  }
0x33: {  	p0 =	seq.s32 s10, $0x1;
	s10 =	sld [smem:$0x3FB9];
	_ =	sdelay $0x3  }
0x34: {  	[smem:$0x3FB9] =	sst s10  }
0x35: {  	s10 =	sld [smem:$0x3FB8];
	_ =	sdelay $0x3  }
0x36: {  	p1 =	seq.s32 s10, $0x1;
	s10 =	sld [smem:$0x3FB9];
	_ =	sdelay $0x3  }
0x37: {  	[smem:$0x3FB9] =	sst s10  }
0x38: {  	s10 =	sld [smem:$0x3FBA]  }
0x39: {  	_ = 	snop;
	(pc) =	sbr.ind lr, $3  }
0x3a: {  	_ = 	snop  }
0x3b: {  	_ = 	snop  }
0x3c: {  	p2 =	seq.s32 s10, $0x1;
	s10 =	sld [smem:$0x3FB9]  }
0x3d: {  	_ =	shalt  }
0x3e: {  	_ =	shalt  }
0x3f: {  	_ =	shalt  }
0x40: {  	_ =	shalt  }
0x41: {  	_ =	shalt  }
0x42: {  	_ =	shalt  }
0x43: {  	_ =	shalt  }
0x44: {  	_ =	shalt  }
0x45: {  	_ =	shalt  }
0x46: {  	_ =	shalt  }
0x47: {  	_ =	shalt  }
0x48: {  	_ =	shalt  }
0x49: {  	_ =	shalt  }
0x4a: {  	_ =	shalt  }
0x4b: {  	_ =	shalt  }
0x4c: {  	_ =	shalt  }
0x4d: {  	_ =	shalt  }
0x4e: {  	_ =	shalt  }
0x4f: {  	_ =	shalt  }
0x50: {  	_ =	shalt  }
0x51: {  	_ =	shalt  }
0x52: {  	_ =	shalt  }
0x53: {  	_ =	shalt  }
0x54: {  	_ =	shalt  }
0x55: {  	_ =	shalt  }
0x56: {  	_ =	shalt  }
0x57: {  	_ =	shalt  }
0x58: {  	_ =	shalt  }
0x59: {  	_ =	shalt  }
0x5a: {  	_ =	shalt  }
0x5b: {  	_ =	shalt  }
0x5c: {  	_ =	shalt  }
0x5d: {  	_ =	shalt  }
0x5e: {  	_ =	shalt  }
0x5f: {  	_ =	shalt  }
0x60: {  	_ =	shalt  }
0x61: {  	_ =	shalt  }
0x62: {  	_ =	shalt  }
0x63: {  	_ =	shalt  }
0x64: {  	_ =	shalt  }
0x65: {  	_ =	shalt  }
0x66: {  	_ =	shalt  }
0x67: {  	_ =	shalt  }
0x68: {  	_ =	shalt  }
0x69: {  	_ =	shalt  }
0x6a: {  	_ =	shalt  }
0x6b: {  	_ =	shalt  }
0x6c: {  	_ =	shalt  }
0x6d: {  	_ =	shalt  }
0x6e: {  	_ =	shalt  }
0x6f: {  	_ =	shalt  }
0x70: {  	_ =	shalt  }
0x71: {  	_ =	shalt  }
0x72: {  	_ =	shalt  }
0x73: {  	_ =	shalt  }
0x74: {  	_ =	shalt  }
0x75: {  	_ =	shalt  }
0x76: {  	_ =	shalt  }
0x77: {  	_ =	shalt  }
0x78: {  	_ =	shalt  }
0x79: {  	_ =	shalt  }
0x7a: {  	_ =	shalt  }
0x7b: {  	_ =	shalt  }
0x7c: {  	_ =	shalt  }
0x7d: {  	_ =	shalt  }
0x7e: {  	_ =	shalt  }
0x7f: {  	_ =	shalt  }
0x80: {  	_ =	shalt  }
0x81: {  	_ =	shalt  }
0x82: {  	_ =	shalt  }
0x83: {  	_ =	shalt  }
0x84: {  	_ =	shalt  }
0x85: {  	_ =	shalt  }
0x86: {  	_ =	shalt  }
0x87: {  	_ =	shalt  }
.Lfunc_end0:
.L_simem_size_0:
called_computation_lowered:
.L_overlay_start_0:
0x88: {  	s2 =	sld [smem:$0x3FD9]  }
0x89: {  	s3 =	sld [smem:$0x3FFE];
	_ =	sdelay $0x1  }
0x8a: {  	s1 =	srdreg.scid  }
0x8b: {  	s0 =	sand.u32 $0x1, s1  }
0x8c: {  	s17 =	sshll.u32 s0, $0xA;
	s2 =	sadd.s32 s3, s2  }
0x8d: {  	s2 =	sadd.s32 s2, s17  }
0x8e: {  	[smem:$0x3FC5] =	sst s2  }
0x8f: {  	_ = 	snop  }
0x90: {  	s2 =	sld [smem:$0x3FD0];
	(tm) =	ssettm $0x1  }
0x91: {  	s18 =	sld [smem:$0x3FFB];
	_ =	sdelay $0x3  }
0x92: {  	_ =	strace s18  }
0x93: {  	s3 =	sld [smem:$0x3FFC];
	_ =	sdelay $0x3  }
0x94: {  	_ =	strace s3  }
0x95: {  	s3 =	sld [smem:$0x3FFD];
	_ =	sdelay $0x3  }
0x96: {  	_ =	strace s3  }
0x97: {  	_ =	strace $0x8FFFFFFF  }
0x98: {  	s19 =	sld [smem:$0x3FDB];
	_ =	sdelay $0x1  }
0x99: {  	s4 =	simm.s32 $_scs_section_size  }
0x9a: {  	s5 =	simm.s32 $_size__tile_overlayer_lowered;
	s6 =	simm.s32 $_tile_overlayer_lowered  }
0x9b: {  	s22 =	simm.s32 $0x1BFF;
	s21 =	sshll.u32 s6, $0x1;
	s3 =	sadd.s32 s4, s19  }
0x9c: {  	s7 =	simm.s32 $0x0;
	s20 =	sshll.u32 s5, $0x1;
	s5 =	sadd.s32 s21, s3  }
0x9d: {  	[timem:s7], [sflag:s22] =	dma.local [hbm:s5], s20  }
0x9e: {  	_ =	swait.ge [sflag:s22], s20  }
0x9f: {  	s4 =	ssub.s32 $0x0, s20;
	[sflag:s22] =	ssyncset.done $0x0  }
0xa0: {  	[sflag:s22] =	ssyncadd.s32 s4;
	_ =	sdelay $0x1  }
0xa1: {  	s23 =	simm.s32 $0x1B8B  }
0xa2: {  	_ =	swait.ge [sflag:s23], $0x1  }
0xa3: {  	[sflag:s23] =	ssyncset.done $0x0  }
0xa4: {  	s25 =	simm.s32 $0x1B8E;
	s24 =	sld [smem:$0x3FFE];
	[sflag:s23] =	ssyncadd.s32 $0xFFFFFFFF  }
0xa5: {  	s26 =	simm.s32 $execute0_lowered;
	[smem:$0x3FD2] =	sst s25  }
0xa6: {  	s5 =	sshll.u32 s26, $0x1;
	_ =	strace $0x80000046;
	[dreg:$0x1] =	wrdreg $0xFFFFFFFF  }
0xa7: {  	s28 =	simm.s32 $_size_execute0_lowered;
	s3 =	sadd.s32 s3, s5;
	[dreg:$0x0] =	wrdreg $0x0  }
0xa8: {  	s5 =	sshll.u32 s28, $0x1;
	[dreg:$0x2] =	wrdreg s3  }
0xa9: {  	[dreg:$0x3] =	wrdreg s5  }
0xaa: {  	[dreg:$0x4] =	wrdreg $0xC0  }
0xab: {  	_ =	task [dreg:s7], $0x5FFFF  }
0xac: {  	[dreg:$0x1] =	wrdreg $0xFFFFFFFF  }
0xad: {  	[dreg:$0x0] =	wrdreg $0x60  }
0xae: {  	[dreg:$0x2] =	wrdreg s24  }
0xaf: {  	[dreg:$0x3] =	wrdreg s2  }
0xb0: {  	[dreg:$0x4] =	wrdreg $0x9  }
0xb1: {  	_ =	task.clear_ibuf [dreg:s7], $0x5FFFF;
	_ =	strace $0x90000046  }
0xb2: {  	s29 =	simm.s32 $0x9;
	_ =	strace $0x80000048  }
0xb3: {  	_ =	swait.ge [sflag:s29], $0x1  }
0xb4: {  	[sflag:s29] =	ssyncadd.s32 $0xFFFFFFFF  }
0xb5: {  	_ =	strace $0x90000048  }
0xb6: {  	_ =	sfence  }
0xb7: {  	s30 =	sld [smem:$0x0];
	_ =	sdelay $0x2  }
0xb8: {  	s31 =	sshll.u32 s1, $0xD;
	s1 =	sshrl.u32 s1, $0x2  }
0xb9: {  	s3 =	sand.u32 $0x4000, s31;
	s1 =	sadd.s32 s1, s30  }
0xba: {  	s0 =	sor.u32 s3, s0;
	s1 =	sshll.u32 s1, $0x11  }
0xbb: {  	s0 =	sor.u32 s1, s0  }
0xbc: {  	s0 =	sadd.s32 $0x8F2B, s0  }
0xbd: {  	[sflag:s0] =	ssyncadd.remote.s32 $0x1  }
0xbe: {  	_ =	sfence.sel $0xFFFF  }
0xbf: {  	[dreg:$0x0] =	wrdreg $0xFFFFFFFF;
	(pc) =	sbr.abs _section_cstart, $3  }
0xc0: {  	[dreg:$0x1] =	wrdreg $0xFFFFFFFF  }
0xc1: {  	_ =	task.clear_ibuf [dreg:s7], $0x2FFFF;
	_ =	strace $0x9FFFFFFF  }
0xc2: {  	(tm) =	ssettm $0x7FFFFFFF  }
0xc3: {  	_ =	shalt  }
tec
execute0_lowered:
.L_overlay_start_1:
0x0: {  	(tag) =	ssettag $0x1  }
0x1: {  	s1 =	srdreg.scid;
	s3 =	rddreg [dreg:$0x0]  }
0x2: {  	s0 =	stileid.u32;
	s5 =	rddreg [dreg:$0x1];
	s2 =	simm.s32 $0x0  }
0x3: {  	s9 =	simm.s32 $0x140;
	s10 =	simm.s32 $0x1540;
	s11 =	simm.s32 $0xA0  }
0x4: {  	s12 =	simm.s32 $0x2940;
	s13 =	simm.s32 $0xF0;
	s14 =	simm.s32 $0x3D40  }
0x5: {  	s15 =	simm.s32 $0x1;
	s16 =	simm.s32 $0x5140;
	s17 =	simm.s32 $0x0  }
0x6: {  	s4 =	sand.u32 $0x1, s1;
	s31 =	sshll.u32 s0, $0x1;
	s1 =	rddreg [dreg:$0x2]  }
0x7: {  	[smem:$0x7FF] =	sst s2;
	s6 =	sor.u32 s4, s31;
	s4 =	ssub.s32 $0x2, s4  }
0x8: {  	s7 =	smul.u32 $0x28, s6;
	s8 =	sshrl.u32 s4, $0x1;
	s6 =	sshll.u32 s6, $0x8  }
0x9: {  	_ =	strace $0x80000047;
	s8 =	ssub.s32 s4, s8;
	s5 =	sadd.s32 s5, s6  }
0xa: {  	s7 =	sadd.s32 s7, s3;
	s3 =	sadd.s32 $0xA00, s3;
	s6 =	smax.u32 s8, $0x1  }
0xb: {  	s8 =	simm.s32 $0x50;
	s4 =	sadd.s32 $0x400, s7;
	s7 =	simm.s32 $0x2  }
.LBB2_1:
0xc: {  	[tilespmem:s2], [sflag:$0x2] =	stream.linear.gather [hbm4b:s4+s2], $0x140, $0x38;
	[tilespmem:$0x5940] =	vst v63  }
0xd: {  	_ =	swait.ge [sflag:s7], $0x140  }
0xe: {  	[sflag:s7] =	ssyncset.done $0x0  }
0xf: {  	[sflag:s7] =	ssyncadd.s32 $0xFFFFFEC0  }
0x10: {  	[tilespmem:s9], [sflag:$0x1] =	stream.indirect.gather [hbm4b:s3+s8], $0x40, s2, s8, $0xb8;
	[tilespmem:$0x5940] =	vst v63  }
0x11: {  	_ = 	snop  }
0x12: {  	[tilespmem:s10], [sflag:$0x1] =	stream.indirect.gather [hbm4b:s3+s8], $0x40, s8, s8, $0xb8;
	[tilespmem:$0x5940] =	vst v63  }
0x13: {  	_ = 	snop  }
0x14: {  	[tilespmem:s12], [sflag:$0x1] =	stream.indirect.gather [hbm4b:s3+s8], $0x40, s11, s8, $0xb8;
	[tilespmem:$0x5940] =	vst v63  }
0x15: {  	_ = 	snop  }
0x16: {  	[tilespmem:s14], [sflag:$0x1] =	stream.indirect.gather [hbm4b:s3+s8], $0x40, s13, s8, $0xb8;
	[tilespmem:$0x5940] =	vst v63  }
0x17: {  	_ =	swait.ge [sflag:s15], $0x1400  }
0x18: {  	[sflag:s15] =	ssyncset.done $0x0  }
0x19: {  	[sflag:s15] =	ssyncadd.s32 $0xFFFFEC00  }
0x1a: {  	_ =	swait.ge [sflag:s15], $0x1400  }
0x1b: {  	[sflag:s15] =	ssyncset.done $0x0  }
0x1c: {  	[sflag:s15] =	ssyncadd.s32 $0xFFFFEC00  }
0x1d: {  	_ =	swait.ge [sflag:s15], $0x1400  }
0x1e: {  	[sflag:s15] =	ssyncset.done $0x0  }
0x1f: {  	[sflag:s15] =	ssyncadd.s32 $0xFFFFEC00  }
0x20: {  	_ =	swait.ge [sflag:s15], $0x1400  }
0x21: {  	[sflag:s15] =	ssyncset.done $0x0  }
0x22: {  	s18 =	simm.s32 $0x280;
	[sflag:s15] =	ssyncadd.s32 $0xFFFFEC00  }
0x23: {  	v0 =	vld [tilespmem:s18+$0xFFFFFF00]  }
0x24: {  	v1 =	vld [tilespmem:s18+$0xFFFFFEC0];
	_ =	sdelay $0x1  }
0x25: {  	v2 =	vld [tilespmem:s18+$0xFFFFFF40];
	_ =	sdelay $0x1  }
0x26: {  	v3 =	vld [tilespmem:s18+$0xFFFFFF80]  }
0x27: {  	v0 =	vadd.f32 v0, v1  }
0x28: {  	v1 =	vld [tilespmem:s18+$0xFFFFFFC0]  }
0x29: {  	v0 =	vadd.f32 v2, v0  }
0x2a: {  	v2 =	vld [tilespmem:s18+$0x0]  }
0x2b: {  	v0 =	vadd.f32 v3, v0  }
0x2c: {  	v3 =	vld [tilespmem:s18+$0x40]  }
0x2d: {  	v0 =	vadd.f32 v1, v0  }
0x2e: {  	v1 =	vld [tilespmem:s18+$0x80]  }
0x2f: {  	v0 =	vadd.f32 v2, v0  }
0x30: {  	v2 =	vld [tilespmem:s18+$0xC0]  }
0x31: {  	v0 =	vadd.f32 v3, v0  }
0x32: {  	v3 =	vld [tilespmem:s18+$0x100]  }
0x33: {  	v0 =	vadd.f32 v1, v0;
	_ =	sdelay $0x1  }
0x34: {  	v0 =	vadd.f32 v2, v0;
	_ =	sdelay $0x1  }
0x35: {  	v0 =	vadd.f32 v3, v0;
	_ =	sdelay $0x1  }
0x36: {  	v0 =	vmul.f32 $1.000000010e-01, v0  }
0x37: {  	s19 =	simm.s32 $0x0  }
0x38: {  	[tilespmem:s19+$0x5140] =	vst v0  }
0x39: {  	v0 =	vld [tilespmem:s18+$0xFFFFFED0]  }
0x3a: {  	v1 =	vld [tilespmem:s18+$0xFFFFFF10];
	_ =	sdelay $0x1  }
0x3b: {  	v2 =	vld [tilespmem:s18+$0xFFFFFF50];
	_ =	sdelay $0x1  }
0x3c: {  	v3 =	vld [tilespmem:s18+$0xFFFFFF90]  }
0x3d: {  	v0 =	vadd.f32 v1, v0  }
0x3e: {  	v1 =	vld [tilespmem:s18+$0xFFFFFFD0]  }
0x3f: {  	v0 =	vadd.f32 v2, v0  }
0x40: {  	v2 =	vld [tilespmem:s18+$0x10]  }
0x41: {  	v0 =	vadd.f32 v3, v0  }
0x42: {  	v3 =	vld [tilespmem:s18+$0x50]  }
0x43: {  	v0 =	vadd.f32 v1, v0  }
0x44: {  	v1 =	vld [tilespmem:s18+$0x90]  }
0x45: {  	v0 =	vadd.f32 v2, v0  }
0x46: {  	v2 =	vld [tilespmem:s18+$0xD0]  }
0x47: {  	v0 =	vadd.f32 v3, v0  }
0x48: {  	v3 =	vld [tilespmem:s18+$0x110]  }
0x49: {  	v0 =	vadd.f32 v1, v0;
	_ =	sdelay $0x1  }
0x4a: {  	v0 =	vadd.f32 v2, v0;
	_ =	sdelay $0x1  }
0x4b: {  	v0 =	vadd.f32 v3, v0;
	_ =	sdelay $0x1  }
0x4c: {  	v0 =	vmul.f32 $1.000000010e-01, v0;
	_ =	sdelay $0x1  }
0x4d: {  	[tilespmem:s19+$0x5150] =	vst v0  }
0x4e: {  	v0 =	vld [tilespmem:s18+$0xFFFFFEE0]  }
0x4f: {  	v1 =	vld [tilespmem:s18+$0xFFFFFF20];
	_ =	sdelay $0x1  }
0x50: {  	v2 =	vld [tilespmem:s18+$0xFFFFFF60];
	_ =	sdelay $0x1  }
0x51: {  	v3 =	vld [tilespmem:s18+$0xFFFFFFA0]  }
0x52: {  	v0 =	vadd.f32 v1, v0  }
0x53: {  	v1 =	vld [tilespmem:s18+$0xFFFFFFE0]  }
0x54: {  	v0 =	vadd.f32 v2, v0  }
0x55: {  	v2 =	vld [tilespmem:s18+$0x20]  }
0x56: {  	v0 =	vadd.f32 v3, v0  }
0x57: {  	v3 =	vld [tilespmem:s18+$0x60]  }
0x58: {  	v0 =	vadd.f32 v1, v0  }
0x59: {  	v1 =	vld [tilespmem:s18+$0xA0]  }
0x5a: {  	v0 =	vadd.f32 v2, v0  }
0x5b: {  	v2 =	vld [tilespmem:s18+$0xE0]  }
0x5c: {  	v0 =	vadd.f32 v3, v0  }
0x5d: {  	v3 =	vld [tilespmem:s18+$0x120]  }
0x5e: {  	v0 =	vadd.f32 v1, v0;
	_ =	sdelay $0x1  }
0x5f: {  	v0 =	vadd.f32 v2, v0;
	_ =	sdelay $0x1  }
0x60: {  	v0 =	vadd.f32 v3, v0;
	_ =	sdelay $0x1  }
0x61: {  	v0 =	vmul.f32 $1.000000010e-01, v0;
	_ =	sdelay $0x1  }
0x62: {  	[tilespmem:s19+$0x5160] =	vst v0  }
0x63: {  	v0 =	vld [tilespmem:s18+$0xFFFFFEF0]  }
0x64: {  	v1 =	vld [tilespmem:s18+$0xFFFFFF30];
	_ =	sdelay $0x1  }
0x65: {  	v2 =	vld [tilespmem:s18+$0xFFFFFF70];
	_ =	sdelay $0x1  }
0x66: {  	v3 =	vld [tilespmem:s18+$0xFFFFFFB0]  }
0x67: {  	v0 =	vadd.f32 v1, v0  }
0x68: {  	v1 =	vld [tilespmem:s18+$0xFFFFFFF0]  }
0x69: {  	v0 =	vadd.f32 v2, v0  }
0x6a: {  	v2 =	vld [tilespmem:s18+$0x30]  }
0x6b: {  	v0 =	vadd.f32 v3, v0  }
0x6c: {  	v3 =	vld [tilespmem:s18+$0x70]  }
0x6d: {  	v0 =	vadd.f32 v1, v0  }
0x6e: {  	v1 =	vld [tilespmem:s18+$0xB0]  }
0x6f: {  	v0 =	vadd.f32 v2, v0;
	_ =	sdelay $0x1  }
0x70: {  	v2 =	vld [tilespmem:s18+$0xF0];
	v0 =	vadd.f32 v3, v0;
	_ =	sdelay $0x1  }
0x71: {  	v1 =	vadd.f32 v1, v0;
	v0 =	vld [tilespmem:s18+$0x130];
	_ =	sdelay $0x2  }
0x72: {  	s20 =	simm.s32 $0x100;
	v1 =	vadd.f32 v2, v1  }
.LBB2_2:
0x73: {  	p0 =	sne.s32 s20, $0x1F00  }
0x74: {  	s18 =	sadd.s32 $0x280, s18;
	s21 =	smov.u32 s20;
	s20 =	sadd.s32 $0x100, s20;
	v0 =	vadd.f32 v0, v1  }
0x75: {  	_ = 	snop  }
0x76: {  	v0 =	vmul.f32 $1.000000010e-01, v0;
	_ =	sdelay $0x1  }
0x77: {  	[tilespmem:s19+$0x5170] =	vst v0  }
0x78: {  	v0 =	vld [tilespmem:s18+$0xFFFFFF00]  }
0x79: {  	v1 =	vld [tilespmem:s18+$0xFFFFFEC0];
	_ =	sdelay $0x1  }
0x7a: {  	v2 =	vld [tilespmem:s18+$0xFFFFFF40];
	_ =	sdelay $0x1  }
0x7b: {  	v3 =	vld [tilespmem:s18+$0xFFFFFF80]  }
0x7c: {  	v0 =	vadd.f32 v0, v1  }
0x7d: {  	v1 =	vld [tilespmem:s18+$0xFFFFFFC0]  }
0x7e: {  	v0 =	vadd.f32 v2, v0  }
0x7f: {  	v2 =	vld [tilespmem:s18+$0x0]  }
0x80: {  	v0 =	vadd.f32 v3, v0  }
0x81: {  	v3 =	vld [tilespmem:s18+$0x40]  }
0x82: {  	v0 =	vadd.f32 v1, v0  }
0x83: {  	v1 =	vld [tilespmem:s18+$0x80]  }
0x84: {  	v0 =	vadd.f32 v2, v0  }
0x85: {  	v2 =	vld [tilespmem:s18+$0xC0]  }
0x86: {  	v0 =	vadd.f32 v3, v0  }
0x87: {  	v3 =	vld [tilespmem:s18+$0x100]  }
0x88: {  	v0 =	vadd.f32 v1, v0;
	_ =	sdelay $0x1  }
0x89: {  	v0 =	vadd.f32 v2, v0;
	_ =	sdelay $0x1  }
0x8a: {  	v0 =	vadd.f32 v3, v0;
	_ =	sdelay $0x1  }
0x8b: {  	v0 =	vmul.f32 $1.000000010e-01, v0  }
0x8c: {  	s19 =	sshra.s32 s21, $0x2  }
0x8d: {  	[tilespmem:s19+$0x5140] =	vst v0  }
0x8e: {  	v0 =	vld [tilespmem:s18+$0xFFFFFED0]  }
0x8f: {  	v1 =	vld [tilespmem:s18+$0xFFFFFF10];
	_ =	sdelay $0x1  }
0x90: {  	v2 =	vld [tilespmem:s18+$0xFFFFFF50];
	_ =	sdelay $0x1  }
0x91: {  	v3 =	vld [tilespmem:s18+$0xFFFFFF90]  }
0x92: {  	v0 =	vadd.f32 v1, v0  }
0x93: {  	v1 =	vld [tilespmem:s18+$0xFFFFFFD0]  }
0x94: {  	v0 =	vadd.f32 v2, v0  }
0x95: {  	v2 =	vld [tilespmem:s18+$0x10]  }
0x96: {  	v0 =	vadd.f32 v3, v0  }
0x97: {  	v3 =	vld [tilespmem:s18+$0x50]  }
0x98: {  	v0 =	vadd.f32 v1, v0  }
0x99: {  	v1 =	vld [tilespmem:s18+$0x90]  }
0x9a: {  	v0 =	vadd.f32 v2, v0  }
0x9b: {  	v2 =	vld [tilespmem:s18+$0xD0]  }
0x9c: {  	v0 =	vadd.f32 v3, v0  }
0x9d: {  	v3 =	vld [tilespmem:s18+$0x110]  }
0x9e: {  	v0 =	vadd.f32 v1, v0;
	_ =	sdelay $0x1  }
0x9f: {  	v0 =	vadd.f32 v2, v0;
	_ =	sdelay $0x1  }
0xa0: {  	v0 =	vadd.f32 v3, v0;
	_ =	sdelay $0x1  }
0xa1: {  	v0 =	vmul.f32 $1.000000010e-01, v0;
	_ =	sdelay $0x1  }
0xa2: {  	[tilespmem:s19+$0x5150] =	vst v0  }
0xa3: {  	v0 =	vld [tilespmem:s18+$0xFFFFFEE0]  }
0xa4: {  	v1 =	vld [tilespmem:s18+$0xFFFFFF20];
	_ =	sdelay $0x1  }
0xa5: {  	v2 =	vld [tilespmem:s18+$0xFFFFFF60];
	_ =	sdelay $0x1  }
0xa6: {  	v3 =	vld [tilespmem:s18+$0xFFFFFFA0]  }
0xa7: {  	v0 =	vadd.f32 v1, v0  }
0xa8: {  	v1 =	vld [tilespmem:s18+$0xFFFFFFE0]  }
0xa9: {  	v0 =	vadd.f32 v2, v0  }
0xaa: {  	v2 =	vld [tilespmem:s18+$0x20]  }
0xab: {  	v0 =	vadd.f32 v3, v0  }
0xac: {  	v3 =	vld [tilespmem:s18+$0x60]  }
0xad: {  	v0 =	vadd.f32 v1, v0  }
0xae: {  	v1 =	vld [tilespmem:s18+$0xA0]  }
0xaf: {  	v0 =	vadd.f32 v2, v0  }
0xb0: {  	v2 =	vld [tilespmem:s18+$0xE0]  }
0xb1: {  	v0 =	vadd.f32 v3, v0  }
0xb2: {  	v3 =	vld [tilespmem:s18+$0x120]  }
0xb3: {  	v0 =	vadd.f32 v1, v0;
	_ =	sdelay $0x1  }
0xb4: {  	v0 =	vadd.f32 v2, v0;
	_ =	sdelay $0x1  }
0xb5: {  	v0 =	vadd.f32 v3, v0;
	_ =	sdelay $0x1  }
0xb6: {  	v0 =	vmul.f32 $1.000000010e-01, v0;
	_ =	sdelay $0x1  }
0xb7: {  	[tilespmem:s19+$0x5160] =	vst v0  }
0xb8: {  	v0 =	vld [tilespmem:s18+$0xFFFFFEF0]  }
0xb9: {  	v1 =	vld [tilespmem:s18+$0xFFFFFF30]  }
0xba: {  	v2 =	vld [tilespmem:s18+$0xFFFFFF70]  }
0xbb: {  	v3 =	vld [tilespmem:s18+$0xFFFFFFB0]  }
0xbc: {  	v4 =	vld [tilespmem:s18+$0xFFFFFFF0]  }
0xbd: {  	v5 =	vld [tilespmem:s18+$0x30]  }
0xbe: {  	v0 =	vadd.f32 v1, v0;
	v1 =	vld [tilespmem:s18+$0x70]  }
0xbf: {  	v6 =	vld [tilespmem:s18+$0xB0]  }
0xc0: {  	v2 =	vadd.f32 v2, v0;
	v7 =	vld [tilespmem:s18+$0xF0]  }
0xc1: {  	v0 =	vld [tilespmem:s18+$0x130]  }
0xc2: {  	v2 =	vadd.f32 v3, v2;
	_ =	sdelay $0x1  }
0xc3: {  	v2 =	vadd.f32 v4, v2;
	_ =	sdelay $0x1  }
0xc4: {  	v2 =	vadd.f32 v5, v2;
	_ =	sdelay $0x1  }
.Ltmp0:
0xc5: {  	v1 =	vadd.f32 v1, v2;
	(pc) =	sbr.rel @p0 .LBB2_2-.Ltmp0, $3  }
0xc6: {  	_ = 	snop  }
0xc7: {  	v1 =	vadd.f32 v6, v1;
	_ =	sdelay $0x1  }
0xc8: {  	v1 =	vadd.f32 v7, v1  }
0xc9: {  	_ = 	snop  }
0xca: {  	v0 =	vadd.f32 v0, v1;
	_ =	sdelay $0x1  }
0xcb: {  	s17 =	sadd.s32 $0x1, s17;
	v0 =	vmul.f32 $1.000000010e-01, v0  }
0xcc: {  	p0 =	sne.s32 s17, s6  }
.Ltmp1:
0xcd: {  	[tilespmem:s19+$0x5170] =	vst v0;
	(pc) =	sbr.rel @p0 .LBB2_1-.Ltmp1, $4  }
0xce: {  	[hbm4b:s5+s2] =	stream.linear.scatter [tilespmem:s16], [sflag:$0x2], $0x800, $0x38;
	[tilespmem:$0x5940] =	vst v63  }
0xcf: {  	_ =	swait.ge [sflag:s7], $0x800  }
0xd0: {  	[sflag:s7] =	ssyncset.done $0x0  }
0xd1: {  	[sflag:s7] =	ssyncadd.s32 $0xFFFFF800  }
0xd2: {  	_ =	sfence.sel $0x180000  }
0xd3: {  	[bflag:$0x0] =	sbarrier.arrive $0xFFFF  }
0xd4: {  	p0 =	sne.s32 s0, $0x0;
	_ =	strace $0x90000047  }
0xd5: {  	s0 =	sadd.s32 @!p0 $0x100000, s1;
	[bflag:$0x2] =	sbarrier.arrive $0xFFFF  }
0xd6: {  	[sflag:s0] =	ssyncadd.tile.s32 @!p0 $0x1;
	_ =	shalt  }
.Lfunc_end2:
_tile_overlayer_lowered:
.L_overlay_start_2:
0xd7: {  	(tag) =	ssettag $0x2  }
0xd8: {  	s0 =	rddreg [dreg:$0x0];
	s2 =	stileid.u32  }
0xd9: {  	s1 =	rddreg [dreg:$0x1];
	p0 =	sne.s32 s2, $0x0  }
0xda: {  	s3 =	rddreg [dreg:$0x2];
	[bflag:$0x3] =	sbarrier.arrive $0xFFFF;
	s2 =	simm.s32 @!p0 $0x1C02  }
0xdb: {  	[timem:s3], [sflag:s2] =	dma.local @!p0 [hbm:s0], s1  }
0xdc: {  	s0 =	simm.s32 @!p0 $0x2  }
0xdd: {  	_ =	swait.ge @!p0 [sflag:s0], s1  }
0xde: {  	s1 =	ssub.s32 @!p0 $0x0, s1;
	[sflag:s0] =	ssyncset.done @!p0 $0x0  }
0xdf: {  	[sflag:s0] =	ssyncadd.s32 @!p0 s1  }
0xe0: {  	[bflag:$0x3] =	sbarrier.arrive $0xFFFF  }
0xe1: {  	_ =	shalt  }

</sc_bundles>
